<compile_context>
chip_gen: v7x
topology: tpu7x:2x2x1
jax: 0.10.2.dev20260603
libtpu: 0.0.44.dev20260713+nightly
codegen_flags: <defaults>
</compile_context>

<pallas_src>
import functools
import math

import jax
import jax.numpy as jnp
from jax import lax
from jax.experimental import pallas as pl
from jax.experimental.pallas import tpu as pltpu
from jax.experimental.pallas import tpu_sc as plsc

_N = 10000
_E = 320000
_NP = 10240
_RATIO = 0.5
_NW = 32


def _pad_to(x, n):
    return jnp.concatenate([x, jnp.zeros((n - x.shape[0],), x.dtype)])



def _sc_mesh():
    return plsc.VectorSubcoreMesh(core_axis_name="c", subcore_axis_name="s")


_SC_PARAMS = pltpu.CompilerParams(needs_layout_passes=False)


@functools.partial(jax.jit, static_argnames=("bpad",))
def _sc_norm(src, dst, w, dinv, *, bpad):
    r = bpad // _NW
    n = dinv.shape[0]

    @functools.partial(
        pl.kernel,
        mesh=_sc_mesh(),
        compiler_params=_SC_PARAMS,
        out_type=jax.ShapeDtypeStruct((bpad,), jnp.float32),
        scratch_types=[
            pltpu.VMEM((n,), jnp.float32),
            pltpu.VMEM((r,), jnp.int32),
            pltpu.VMEM((r,), jnp.int32),
            pltpu.VMEM((r,), jnp.float32),
            pltpu.VMEM((r,), jnp.float32),
        ],
    )
    def k(src_hbm, dst_hbm, w_hbm, dinv_hbm, out_hbm,
          dinv_v, src_v, dst_v, w_v, out_v):
        wid = lax.axis_index("s") * 2 + lax.axis_index("c")
        base = wid * r
        pltpu.sync_copy(dinv_hbm, dinv_v)
        pltpu.sync_copy(src_hbm.at[pl.ds(base, r)], src_v)
        pltpu.sync_copy(dst_hbm.at[pl.ds(base, r)], dst_v)
        pltpu.sync_copy(w_hbm.at[pl.ds(base, r)], w_v)

        def body(j, _):
            o = pl.ds(j * 16, 16)
            ds_ = plsc.load_gather(dinv_v, [src_v[o]])
            dd = plsc.load_gather(dinv_v, [dst_v[o]])
            out_v[o] = (ds_ * dd) * w_v[o]
            return 0

        lax.fori_loop(0, r // 16, body, 0)
        pltpu.sync_copy(out_v, out_hbm.at[pl.ds(base, r)])

    return k(src, dst, w, dinv)


@functools.partial(jax.jit, static_argnames=("bpad",))
def _sc_svals(src, norm, hp, *, bpad):
    r = bpad // _NW
    n = hp.shape[0]

    @functools.partial(
        pl.kernel,
        mesh=_sc_mesh(),
        compiler_params=_SC_PARAMS,
        out_type=jax.ShapeDtypeStruct((bpad,), jnp.float32),
        scratch_types=[
            pltpu.VMEM((n,), jnp.float32),
            pltpu.VMEM((r,), jnp.int32),
            pltpu.VMEM((r,), jnp.float32),
            pltpu.VMEM((r,), jnp.float32),
        ],
    )
    def k(src_hbm, norm_hbm, hp_hbm, out_hbm, hp_v, src_v, norm_v, out_v):
        wid = lax.axis_index("s") * 2 + lax.axis_index("c")
        base = wid * r
        pltpu.sync_copy(hp_hbm, hp_v)
        pltpu.sync_copy(src_hbm.at[pl.ds(base, r)], src_v)
        pltpu.sync_copy(norm_hbm.at[pl.ds(base, r)], norm_v)

        def body(j, _):
            o = pl.ds(j * 16, 16)
            hs = plsc.load_gather(hp_v, [src_v[o]])
            out_v[o] = hs * norm_v[o]
            return 0

        lax.fori_loop(0, r // 16, body, 0)
        pltpu.sync_copy(out_v, out_hbm.at[pl.ds(base, r)])

    return k(src, norm, hp)


@functools.partial(jax.jit, static_argnames=("bpad",))
def _sc_relabel(src, dst, relabel, *, bpad):
    r = bpad // _NW
    n = relabel.shape[0]
    out_t = jax.ShapeDtypeStruct((bpad,), jnp.int32)

    @functools.partial(
        pl.kernel,
        mesh=_sc_mesh(),
        compiler_params=_SC_PARAMS,
        out_type=(out_t, out_t),
        scratch_types=[
            pltpu.VMEM((n,), jnp.int32),
            pltpu.VMEM((r,), jnp.int32),
            pltpu.VMEM((r,), jnp.int32),
            pltpu.VMEM((r,), jnp.int32),
            pltpu.VMEM((r,), jnp.int32),
        ],
    )
    def k(src_hbm, dst_hbm, rel_hbm, rs_hbm, rd_hbm,
          rel_v, src_v, dst_v, rs_v, rd_v):
        wid = lax.axis_index("s") * 2 + lax.axis_index("c")
        base = wid * r
        pltpu.sync_copy(rel_hbm, rel_v)
        pltpu.sync_copy(src_hbm.at[pl.ds(base, r)], src_v)
        pltpu.sync_copy(dst_hbm.at[pl.ds(base, r)], dst_v)

        def body(j, _):
            o = pl.ds(j * 16, 16)
            rs_v[o] = plsc.load_gather(rel_v, [src_v[o]])
            rd_v[o] = plsc.load_gather(rel_v, [dst_v[o]])
            return 0

        lax.fori_loop(0, r // 16, body, 0)
        pltpu.sync_copy(rs_v, rs_hbm.at[pl.ds(base, r)])
        pltpu.sync_copy(rd_v, rd_hbm.at[pl.ds(base, r)])

    return k(src, dst, relabel)


def _gather_rows(table, idx):
    g = lax.optimization_barrier(table)[idx]
    return lax.optimization_barrier(g)



def _proj_kernel(h_ref, w_ref, o_ref):
    o_ref[...] = jnp.dot(
        h_ref[...], w_ref[...], preferred_element_type=jnp.float32
    ).astype(jnp.bfloat16)


def _dec_layer_kernel(a_ref, p_ref, wn_ref, b_ref, o_ref):
    acc = jnp.dot(a_ref[...], p_ref[...], preferred_element_type=jnp.float32)
    t = jnp.tanh(acc + b_ref[...])
    o_ref[...] = jnp.dot(
        t, wn_ref[...], preferred_element_type=jnp.float32
    ).astype(jnp.bfloat16)


def _dec_final_kernel(a_ref, p_ref, b_ref, o_ref):
    o_ref[...] = jnp.dot(
        a_ref[...], p_ref[...], preferred_element_type=jnp.float32
    ) + b_ref[...]


def _mlp_kernel(x_ref, w4_ref, b4_ref, w5_ref, b5_ref, w6_ref, b6_ref, o_ref):
    h = jax.nn.relu(
        jnp.dot(x_ref[...], w4_ref[...], preferred_element_type=jnp.float32)
        + b4_ref[...])
    h = jax.nn.relu(
        jnp.dot(h, w5_ref[...], preferred_element_type=jnp.float32)
        + b5_ref[...])
    o_ref[...] = jax.nn.relu(
        jnp.dot(h, w6_ref[...], preferred_element_type=jnp.float32)
        + b6_ref[...])


_BM = 256


def _dec_layer(a, p, w_next, b):
    return pl.pallas_call(
        _dec_layer_kernel,
        grid=(_NP // _BM,),
        in_specs=[
            pl.BlockSpec((_BM, _NP), lambda i: (i, 0)),
            pl.BlockSpec((_NP, 256), lambda i: (0, 0)),
            pl.BlockSpec((256, 256), lambda i: (0, 0)),
            pl.BlockSpec((1, 256), lambda i: (0, 0)),
        ],
        out_specs=pl.BlockSpec((_BM, 256), lambda i: (i, 0)),
        out_shape=jax.ShapeDtypeStruct((_NP, 256), jnp.bfloat16),
    )(a, p, w_next, b)


def _dec_final(a, p, b):
    return pl.pallas_call(
        _dec_final_kernel,
        grid=(_NP // _BM,),
        in_specs=[
            pl.BlockSpec((_BM, _NP), lambda i: (i, 0)),
            pl.BlockSpec((_NP, 256), lambda i: (0, 0)),
            pl.BlockSpec((1, 256), lambda i: (0, 0)),
        ],
        out_specs=pl.BlockSpec((_BM, 256), lambda i: (i, 0)),
        out_shape=jax.ShapeDtypeStruct((_NP, 256), jnp.float32),
    )(a, p, b)


def _proj(h, w):
    return pl.pallas_call(
        _proj_kernel,
        grid=(_NP // 1024,),
        in_specs=[
            pl.BlockSpec((1024, 256), lambda i: (i, 0)),
            pl.BlockSpec((256, 256), lambda i: (0, 0)),
        ],
        out_specs=pl.BlockSpec((1024, 256), lambda i: (i, 0)),
        out_shape=jax.ShapeDtypeStruct((_NP, 256), jnp.bfloat16),
    )(h, w)


def _deg_mlp(x, w4, b4, w5, b5, w6, b6):
    bm = 2000
    return pl.pallas_call(
        _mlp_kernel,
        grid=(_N // bm,),
        in_specs=[
            pl.BlockSpec((bm, 128), lambda i: (i, 0)),
            pl.BlockSpec((128, 128), lambda i: (0, 0)),
            pl.BlockSpec((1, 128), lambda i: (0, 0)),
            pl.BlockSpec((128, 64), lambda i: (0, 0)),
            pl.BlockSpec((1, 64), lambda i: (0, 0)),
            pl.BlockSpec((64, 1), lambda i: (0, 0)),
            pl.BlockSpec((1, 1), lambda i: (0, 0)),
        ],
        out_specs=pl.BlockSpec((bm, 1), lambda i: (i, 0)),
        out_shape=jax.ShapeDtypeStruct((_N, 1), jnp.float32),
    )(x, w4, b4, w5, b5, w6, b6)


def _blockdiag2(w):
    d0, d1 = w.shape
    z = jnp.zeros((2 * d0, 2 * d1), w.dtype)
    return z.at[:d0, :d1].set(w).at[d0:, d1:].set(w)



def _gcn_sc(x, src_a, dst_a, norm, W, b):
    h = x @ W
    g = _gather_rows(h, src_a)
    return jnp.zeros_like(h).at[dst_a].add(g * norm[:, None]) + b


def _score_sc(x, src_a, dst_a, norm, bpad, Wp, bp):
    hp = (x @ Wp)[:, 0]
    svals = _sc_svals(_pad_to(src_a, bpad), _pad_to(norm, bpad), hp,
                      bpad=bpad)[:src_a.shape[0]]
    out = jnp.zeros((x.shape[0], 1), x.dtype).at[dst_a].add(svals[:, None])
    return (out + bp).squeeze(-1)


def kernel(x, edge_index, batch, conv1_W, conv1_b, conv2_W, conv2_b, conv3_W, conv3_b, conv4_W, conv4_b, conv5_W, conv5_b, pool1_W, pool1_b, pool2_W, pool2_b, lin1_W, lin1_b, lin2_W, lin2_b, lin3_W, lin3_b, lin4_W, lin4_b, lin5_W, lin5_b, lin6_W, lin6_b):
    src0 = edge_index[0]
    dst0 = edge_index[1]
    deg_gt = jnp.zeros((_N,), jnp.float32).at[src0].add(1.0)

    loop1 = jnp.arange(_N)
    src_a1 = jnp.concatenate([src0, loop1])
    dst_a1 = jnp.concatenate([dst0, loop1])
    b1 = src_a1.shape[0]
    b1pad = ((b1 + 8191) // 8192) * 8192
    deg1 = jnp.zeros((_N,), jnp.float32).at[dst_a1].add(1.0)
    safe1 = jnp.where(deg1 > 0, deg1, 1.0)
    dinv1 = jnp.where(deg1 > 0, 1.0 / jnp.sqrt(safe1), 0.0)
    norm1 = _sc_norm(_pad_to(src_a1, b1pad), _pad_to(dst_a1, b1pad),
                     jnp.ones((b1pad,), jnp.float32), dinv1, bpad=b1pad)[:b1]

    h = jax.nn.relu(_gcn_sc(x, src_a1, dst_a1, norm1, conv1_W, conv1_b))
    score1 = _score_sc(h, src_a1, dst_a1, norm1, b1pad, pool1_W, pool1_b)
    k1 = int(math.ceil(_RATIO * _N))
    _, perm1 = jax.lax.top_k(score1, k1)
    h1 = h[perm1] * jnp.tanh(score1[perm1])[:, None]
    batch1 = batch[perm1]
    relabel1 = jnp.full((_N,), -1, jnp.int32).at[perm1].set(
        jnp.arange(k1, dtype=jnp.int32))
    epad = ((_E + 8191) // 8192) * 8192
    rs1, rd1 = _sc_relabel(_pad_to(src0, epad), _pad_to(dst0, epad),
                           relabel1, bpad=epad)
    rs1, rd1 = rs1[:_E], rd1[:_E]
    valid1 = (rs1 >= 0) & (rd1 >= 0)
    src1 = jnp.where(valid1, rs1, 0)
    dst1 = jnp.where(valid1, rd1, 0)
    w1 = valid1.astype(jnp.float32)
    x_out = jnp.zeros_like(h).at[perm1].set(h1)

    loop2 = jnp.arange(k1)
    src_a2 = jnp.concatenate([src1, loop2])
    dst_a2 = jnp.concatenate([dst1, loop2])
    w_a2 = jnp.concatenate([w1, jnp.ones((k1,), jnp.float32)])
    b2 = src_a2.shape[0]
    b2pad = ((b2 + 8191) // 8192) * 8192
    deg2 = jnp.zeros((k1,), jnp.float32).at[dst_a2].add(w_a2)
    safe2 = jnp.where(deg2 > 0, deg2, 1.0)
    dinv2 = jnp.where(deg2 > 0, 1.0 / jnp.sqrt(safe2), 0.0)
    norm2 = _sc_norm(_pad_to(src_a2, b2pad), _pad_to(dst_a2, b2pad),
                     _pad_to(w_a2, b2pad), dinv2, bpad=b2pad)[:b2]

    h2 = jax.nn.relu(_gcn_sc(h1, src_a2, dst_a2, norm2, conv2_W, conv2_b))
    score2 = _score_sc(h2, src_a2, dst_a2, norm2, b2pad, pool2_W, pool2_b)
    k2 = int(math.ceil(_RATIO * k1))
    _, perm2 = jax.lax.top_k(score2, k2)
    h3 = h2[perm2] * jnp.tanh(score2[perm2])[:, None]
    batch2 = batch1[perm2]
    x_out2a = jnp.zeros_like(h2).at[perm2].set(h3)
    x_out2 = jnp.zeros_like(h).at[perm1].set(x_out2a)

    a = jnp.zeros((_NP, _NP), jnp.float32).at[dst_a1, src_a1].add(norm1)
    a = a.astype(jnp.bfloat16)

    h0 = jnp.zeros((_NP, 256), jnp.float32)
    h0 = h0.at[:_N, :128].set(x_out).at[:_N, 128:].set(x_out2)
    w3d = _blockdiag2(conv3_W)
    w4d = _blockdiag2(conv4_W)
    w5d = _blockdiag2(conv5_W)
    b3c = jnp.concatenate([conv3_b, conv3_b]).reshape(1, 256)
    b4c = jnp.concatenate([conv4_b, conv4_b]).reshape(1, 256)
    b5c = jnp.concatenate([conv5_b, conv5_b]).reshape(1, 256)

    p1 = _proj(h0, w3d)
    p2 = _dec_layer(a, p1, w4d, b3c)
    p3 = _dec_layer(a, p2, w5d, b4c)
    y = _dec_final(a, p3, b5c)
    x_dec1 = y[:_N, :128]
    x_dec2 = y[:_N, 128:]

    xdeg = _deg_mlp(x_out, lin4_W, lin4_b.reshape(1, -1), lin5_W,
                    lin5_b.reshape(1, -1), lin6_W, lin6_b.reshape(1, 1))
    deg_gt_1 = deg_gt[perm1]
    deg_pred_1 = xdeg[perm1]
    deg_gt_2 = deg_gt[perm2]
    deg_pred_2 = xdeg[perm2]

    x1 = jnp.concatenate([jnp.max(h1, axis=0, keepdims=True),
                          jnp.sum(h1, axis=0, keepdims=True) / k1], axis=1)
    x2 = jnp.concatenate([jnp.max(h3, axis=0, keepdims=True),
                          jnp.sum(h3, axis=0, keepdims=True) / k2], axis=1)
    g = x1 + x2
    g = jax.nn.relu(g @ lin1_W + lin1_b)
    g = jax.nn.relu(g @ lin2_W + lin2_b)
    g = g @ lin3_W + lin3_b
    return (g, x_dec1, x_dec2, deg_gt_1, deg_pred_1, deg_gt_2, deg_pred_2)

# --- scband reference (transcript-rebuilt; emitter-appended) ---
"""Pipeline reference for scband-net-sag-69217692942919 (READ-ONLY COPY).

The authoritative reference and input builder live on the scoring server;
editing this copy changes nothing except your own understanding.
"""

import jax, jax.numpy as jnp
import numpy as np
import math

N = 10000
E = 320000
F_IN = 128
NHID = 128
NCLS = 10
RATIO = 0.5


def _gcn(x, src, dst, w, W, b):
    # PyG GCNConv: add self-loops, symmetric normalization, weighted scatter-add
    n = x.shape[0]
    h = x @ W
    loop = jnp.arange(n)
    src_a = jnp.concatenate([src, loop])
    dst_a = jnp.concatenate([dst, loop])
    w_a = jnp.concatenate([w, jnp.ones((n,), h.dtype)])
    deg = jnp.zeros((n,), h.dtype).at[dst_a].add(w_a)
    safe = jnp.where(deg > 0, deg, 1.0)
    dinv = jnp.where(deg > 0, 1.0 / jnp.sqrt(safe), 0.0)
    norm = dinv[src_a] * dinv[dst_a] * w_a
    out = jnp.zeros_like(h).at[dst_a].add(h[src_a] * norm[:, None])
    return out + b


def _sag_pool(x, src, dst, w, batch, Wp, bp, ratio):
    # SAGPool: score = GCNConv(in,1); top-k nodes; x[perm]*tanh(score[perm]); filter_adj
    # filter_adj is expressed with static shapes: invalid edges get weight 0 and index 0
    n = x.shape[0]
    score = _gcn(x, src, dst, w, Wp, bp).squeeze(-1)
    k = int(math.ceil(ratio * n))
    _, perm = jax.lax.top_k(score, k)
    x_new = x[perm] * jnp.tanh(score[perm])[:, None]
    batch_new = batch[perm]
    relabel = jnp.full((n,), -1, jnp.int32).at[perm].set(jnp.arange(k, dtype=jnp.int32))
    rs = relabel[src]
    rd = relabel[dst]
    valid = (rs >= 0) & (rd >= 0) & (w > 0)
    new_src = jnp.where(valid, rs, 0)
    new_dst = jnp.where(valid, rd, 0)
    new_w = valid.astype(x.dtype)
    return x_new, new_src, new_dst, new_w, batch_new, perm


def _gmp(x, batch, nb):
    return jax.ops.segment_max(x, batch, num_segments=nb)


def _gap(x, batch, nb):
    s = jax.ops.segment_sum(x, batch, num_segments=nb)
    c = jax.ops.segment_sum(jnp.ones((x.shape[0], 1), x.dtype), batch, num_segments=nb)
    return s / c


def _forward(x, c1W, c1b, c2W, c2b, c3W, c3b, c4W, c4b, c5W, c5b, p1W, p1b, p2W, p2b, l1W, l1b, l2W, l2b, l3W, l3b, l4W, l4b, l5W, l5b, l6W, l6b, edge_index, batch):
    src0 = edge_index[0]
    dst0 = edge_index[1]
    w0 = jnp.ones((src0.shape[0],), jnp.float32)
    deg_gt = jnp.zeros((x.shape[0],), jnp.float32).at[src0].add(1.0)
    h = jax.nn.relu(_gcn(x, src0, dst0, w0, c1W, c1b))
    res = h
    h1, src1, dst1, w1, batch1, perm1 = _sag_pool(h, src0, dst0, w0, batch, p1W, p1b, RATIO)
    x_out = jnp.zeros_like(res).at[perm1].set(h1)
    xd = jnp.tanh(_gcn(x_out, src0, dst0, w0, c3W, c3b))
    xd = jnp.tanh(_gcn(xd, src0, dst0, w0, c4W, c4b))
    x_dec1 = _gcn(xd, src0, dst0, w0, c5W, c5b)
    # dropout is identity in eval mode
    xdeg = jax.nn.relu(x_out @ l4W + l4b)
    xdeg = jax.nn.relu(xdeg @ l5W + l5b)
    xdeg = jax.nn.relu(xdeg @ l6W + l6b)
    deg_gt_1 = deg_gt[perm1]
    deg_pred_1 = xdeg[perm1]
    x1 = jnp.concatenate([_gmp(h1, batch1, 1), _gap(h1, batch1, 1)], axis=1)
    h2 = jax.nn.relu(_gcn(h1, src1, dst1, w1, c2W, c2b))
    res2 = h2
    h3, src2, dst2, w2, batch2, perm2 = _sag_pool(h2, src1, dst1, w1, batch1, p2W, p2b, RATIO)
    x_out2a = jnp.zeros_like(res2).at[perm2].set(h3)
    x_out2 = jnp.zeros_like(res).at[perm1].set(x_out2a)
    xd2 = jnp.tanh(_gcn(x_out2, src0, dst0, w0, c3W, c3b))
    xd2 = jnp.tanh(_gcn(xd2, src0, dst0, w0, c4W, c4b))
    x_dec2 = _gcn(xd2, src0, dst0, w0, c5W, c5b)
    xdeg2 = jax.nn.relu(x_out2 @ l4W + l4b)
    xdeg2 = jax.nn.relu(xdeg2 @ l5W + l5b)
    xdeg2 = jax.nn.relu(xdeg2 @ l6W + l6b)  # computed but unused in return, as in original
    deg_gt_2 = deg_gt[perm2]
    deg_pred_2 = xdeg[perm2]  # original indexes first-block xdeg with perm2 (faithful)
    x2 = jnp.concatenate([_gmp(h3, batch2, 1), _gap(h3, batch2, 1)], axis=1)
    g = x1 + x2
    g = jax.nn.relu(g @ l1W + l1b)
    g = jax.nn.relu(g @ l2W + l2b)
    g = g @ l3W + l3b
    return (g, x_dec1, x_dec2, deg_gt_1, deg_pred_1, deg_gt_2, deg_pred_2)


def setup_inputs(seed: int = 0) -> dict:
    key = jax.random.key(seed)
    ks = jax.random.split(key, 32)
    def w(k, i, o):
        return (jax.random.normal(k, (i, o), dtype=jnp.float32) * (1.0 / np.sqrt(i)))
    inp = {
        "x": jax.random.normal(ks[0], (N, F_IN), dtype=jnp.float32),
        "edge_index": jax.random.randint(ks[1], (2, E), 0, N, dtype=jnp.int32),
        "batch": jnp.zeros((N,), dtype=jnp.int32),
        "conv1_W": w(ks[2], F_IN, NHID), "conv1_b": jnp.zeros((NHID,), jnp.float32),
        "conv2_W": w(ks[3], NHID, NHID), "conv2_b": jnp.zeros((NHID,), jnp.float32),
        "conv3_W": w(ks[4], NHID, NHID), "conv3_b": jnp.zeros((NHID,), jnp.float32),
        "conv4_W": w(ks[5], NHID, NHID), "conv4_b": jnp.zeros((NHID,), jnp.float32),
        "conv5_W": w(ks[6], NHID, F_IN), "conv5_b": jnp.zeros((F_IN,), jnp.float32),
        "pool1_W": w(ks[7], NHID, 1), "pool1_b": jnp.zeros((1,), jnp.float32),
        "pool2_W": w(ks[8], NHID, 1), "pool2_b": jnp.zeros((1,), jnp.float32),
        "lin1_W": w(ks[9], NHID * 2, NHID), "lin1_b": jnp.zeros((NHID,), jnp.float32),
        "lin2_W": w(ks[10], NHID, NHID // 2), "lin2_b": jnp.zeros((NHID // 2,), jnp.float32),
        "lin3_W": w(ks[11], NHID // 2, NCLS), "lin3_b": jnp.zeros((NCLS,), jnp.float32),
        "lin4_W": w(ks[12], NHID, NHID), "lin4_b": jnp.zeros((NHID,), jnp.float32),
        "lin5_W": w(ks[13], NHID, NHID // 2), "lin5_b": jnp.zeros((NHID // 2,), jnp.float32),
        "lin6_W": w(ks[14], NHID // 2, 1), "lin6_b": jnp.zeros((1,), jnp.float32),
    }
    return inp


def reference(x, edge_index, batch, conv1_W, conv1_b, conv2_W, conv2_b, conv3_W, conv3_b, conv4_W, conv4_b, conv5_W, conv5_b, pool1_W, pool1_b, pool2_W, pool2_b, lin1_W, lin1_b, lin2_W, lin2_b, lin3_W, lin3_b, lin4_W, lin4_b, lin5_W, lin5_b, lin6_W, lin6_b):
    return _forward(x, conv1_W, conv1_b, conv2_W, conv2_b, conv3_W, conv3_b, conv4_W, conv4_b, conv5_W, conv5_b, pool1_W, pool1_b, pool2_W, pool2_b, lin1_W, lin1_b, lin2_W, lin2_b, lin3_W, lin3_b, lin4_W, lin4_b, lin5_W, lin5_b, lin6_W, lin6_b, edge_index, batch)

if __name__ == "__main__":
    import jax
    _d = setup_inputs()
    print(jax.jit(kernel)(*tuple(_d.values())))

</pallas_src>

<mosaic_0001>
#map = affine_map<(d0, d1) -> (0)>
module attributes {stable_mosaic.version = 14 : i64} {
  func.func @k(%arg0: i32, %arg1: i32, %arg2: memref<335872xi32, #tpu.memory_space<hbm>>, %arg3: memref<335872xi32, #tpu.memory_space<hbm>>, %arg4: memref<335872xf32, #tpu.memory_space<hbm>>, %arg5: memref<10000xf32, #tpu.memory_space<hbm>>, %arg6: memref<335872xf32, #tpu.memory_space<hbm>>, %arg7: memref<10000xf32, #tpu.memory_space<vmem>>, %arg8: memref<10496xi32, #tpu.memory_space<vmem>>, %arg9: memref<10496xi32, #tpu.memory_space<vmem>>, %arg10: memref<10496xf32, #tpu.memory_space<vmem>>, %arg11: memref<10496xf32, #tpu.memory_space<vmem>>) attributes {dimension_semantics = [#tpu.dimension_semantics<core_parallel>, #tpu.dimension_semantics<subcore_parallel>], iteration_bounds = array<i64: 2, 16>, scalar_prefetch = 0 : i64, scratch_operands = 5 : i64, tpu.core_type = #tpu.core_type<sc_vector_subcore>, window_params = [{transform_indices = #map}, {transform_indices = #map}, {transform_indices = #map}, {transform_indices = #map}, {transform_indices = #map}]} {
    %mul3A = arith.constant 2 : i32
    %mul3A_0 = arith.muli %arg1, %mul3A : i32
    %add3A = arith.addi %mul3A_0, %arg0 : i32
    %mul3A_1 = arith.constant 10496 : i32
    %mul3A_2 = arith.muli %add3A, %mul3A_1 : i32
    "tpu.region"() ({
      %run_scoped3A = tpu.sem_alloc : memref<!tpu.dma_semaphore, #tpu.memory_space<semaphore_mem>>
      tpu.enqueue_dma source(%arg5 : memref<10000xf32, #tpu.memory_space<hbm>>) target(%arg7 : memref<10000xf32, #tpu.memory_space<vmem>>) target_semaphore(%run_scoped3A : memref<!tpu.dma_semaphore, #tpu.memory_space<semaphore_mem>>)
      tpu.wait_dma2 semaphore(%run_scoped3A : memref<!tpu.dma_semaphore, #tpu.memory_space<semaphore_mem>>) src(%arg5 : memref<10000xf32, #tpu.memory_space<hbm>>) dst(%arg7 : memref<10000xf32, #tpu.memory_space<vmem>>)
      tpu.yield
    }) : () -> ()
    "tpu.region"() ({
      %run_scoped3A = tpu.sem_alloc : memref<!tpu.dma_semaphore, #tpu.memory_space<semaphore_mem>>
      %dma_start3A = tpu.memref_slice %arg2[%mul3A_2] : memref<335872xi32, #tpu.memory_space<hbm>> -> memref<10496xi32, #tpu.memory_space<hbm>>
      %dma_start3A_9 = tpu.memref_slice %arg2[%mul3A_2] : memref<335872xi32, #tpu.memory_space<hbm>> -> memref<10496xi32, #tpu.memory_space<hbm>>
      tpu.enqueue_dma source(%dma_start3A_9 : memref<10496xi32, #tpu.memory_space<hbm>>) target(%arg8 : memref<10496xi32, #tpu.memory_space<vmem>>) target_semaphore(%run_scoped3A : memref<!tpu.dma_semaphore, #tpu.memory_space<semaphore_mem>>)
      %dma_wait3A = tpu.memref_slice %arg2[%mul3A_2] : memref<335872xi32, #tpu.memory_space<hbm>> -> memref<10496xi32, #tpu.memory_space<hbm>>
      %dma_wait3A_10 = tpu.memref_slice %arg2[%mul3A_2] : memref<335872xi32, #tpu.memory_space<hbm>> -> memref<10496xi32, #tpu.memory_space<hbm>>
      tpu.wait_dma2 semaphore(%run_scoped3A : memref<!tpu.dma_semaphore, #tpu.memory_space<semaphore_mem>>) src(%dma_wait3A_10 : memref<10496xi32, #tpu.memory_space<hbm>>) dst(%arg8 : memref<10496xi32, #tpu.memory_space<vmem>>)
      tpu.yield
    }) : () -> ()
    "tpu.region"() ({
      %run_scoped3A = tpu.sem_alloc : memref<!tpu.dma_semaphore, #tpu.memory_space<semaphore_mem>>
      %dma_start3A = tpu.memref_slice %arg3[%mul3A_2] : memref<335872xi32, #tpu.memory_space<hbm>> -> memref<10496xi32, #tpu.memory_space<hbm>>
      %dma_start3A_9 = tpu.memref_slice %arg3[%mul3A_2] : memref<335872xi32, #tpu.memory_space<hbm>> -> memref<10496xi32, #tpu.memory_space<hbm>>
      tpu.enqueue_dma source(%dma_start3A_9 : memref<10496xi32, #tpu.memory_space<hbm>>) target(%arg9 : memref<10496xi32, #tpu.memory_space<vmem>>) target_semaphore(%run_scoped3A : memref<!tpu.dma_semaphore, #tpu.memory_space<semaphore_mem>>)
      %dma_wait3A = tpu.memref_slice %arg3[%mul3A_2] : memref<335872xi32, #tpu.memory_space<hbm>> -> memref<10496xi32, #tpu.memory_space<hbm>>
      %dma_wait3A_10 = tpu.memref_slice %arg3[%mul3A_2] : memref<335872xi32, #tpu.memory_space<hbm>> -> memref<10496xi32, #tpu.memory_space<hbm>>
      tpu.wait_dma2 semaphore(%run_scoped3A : memref<!tpu.dma_semaphore, #tpu.memory_space<semaphore_mem>>) src(%dma_wait3A_10 : memref<10496xi32, #tpu.memory_space<hbm>>) dst(%arg9 : memref<10496xi32, #tpu.memory_space<vmem>>)
      tpu.yield
    }) : () -> ()
    "tpu.region"() ({
      %run_scoped3A = tpu.sem_alloc : memref<!tpu.dma_semaphore, #tpu.memory_space<semaphore_mem>>
      %dma_start3A = tpu.memref_slice %arg4[%mul3A_2] : memref<335872xf32, #tpu.memory_space<hbm>> -> memref<10496xf32, #tpu.memory_space<hbm>>
      %dma_start3A_9 = tpu.memref_slice %arg4[%mul3A_2] : memref<335872xf32, #tpu.memory_space<hbm>> -> memref<10496xf32, #tpu.memory_space<hbm>>
      tpu.enqueue_dma source(%dma_start3A_9 : memref<10496xf32, #tpu.memory_space<hbm>>) target(%arg10 : memref<10496xf32, #tpu.memory_space<vmem>>) target_semaphore(%run_scoped3A : memref<!tpu.dma_semaphore, #tpu.memory_space<semaphore_mem>>)
      %dma_wait3A = tpu.memref_slice %arg4[%mul3A_2] : memref<335872xf32, #tpu.memory_space<hbm>> -> memref<10496xf32, #tpu.memory_space<hbm>>
      %dma_wait3A_10 = tpu.memref_slice %arg4[%mul3A_2] : memref<335872xf32, #tpu.memory_space<hbm>> -> memref<10496xf32, #tpu.memory_space<hbm>>
      tpu.wait_dma2 semaphore(%run_scoped3A : memref<!tpu.dma_semaphore, #tpu.memory_space<semaphore_mem>>) src(%dma_wait3A_10 : memref<10496xf32, #tpu.memory_space<hbm>>) dst(%arg10 : memref<10496xf32, #tpu.memory_space<vmem>>)
      tpu.yield
    }) : () -> ()
    %scan3A = arith.constant 0 : i32
    %scan3A_3 = arith.constant 0 : i32
    %scan3A_4 = arith.constant 656 : i32
    %scan3A_5 = arith.addi %scan3A_3, %scan3A_4 : i32
    %scan3A_6 = arith.constant 1 : i32
    %scan3A_7 = scf.for %scan3A_9 = %scan3A_3 to %scan3A_5 step %scan3A_6 iter_args(%scan3A_10 = %scan3A) -> (i32)  : i32 {
      %mul3A_11 = arith.constant 16 : i32
      %mul3A_12 = arith.muli %scan3A_9, %mul3A_11 : i32
      %get3A = arith.index_cast %mul3A_12 : i32 to index
      %get3A_13 = tpu.vector_load %arg8[%get3A] {strides = array<i32>} : memref<10496xi32, #tpu.memory_space<vmem>>, vector<16xi32>,
      %gather3A = tpu.vector_load_idx %arg7[%get3A_13] : memref<10000xf32, #tpu.memory_space<vmem>>[vector<16xi32>], vector<16xf32>,
      %get3A_14 = arith.index_cast %mul3A_12 : i32 to index
      %get3A_15 = tpu.vector_load %arg9[%get3A_14] {strides = array<i32>} : memref<10496xi32, #tpu.memory_space<vmem>>, vector<16xi32>,
      %gather3A_16 = tpu.vector_load_idx %arg7[%get3A_15] : memref<10000xf32, #tpu.memory_space<vmem>>[vector<16xi32>], vector<16xf32>,
      %mul3A_17 = arith.mulf %gather3A, %gather3A_16 : vector<16xf32>
      %get3A_18 = arith.index_cast %mul3A_12 : i32 to index
      %get3A_19 = tpu.vector_load %arg10[%get3A_18] {strides = array<i32>} : memref<10496xf32, #tpu.memory_space<vmem>>, vector<16xf32>,
      %mul3A_20 = arith.mulf %mul3A_17, %get3A_19 : vector<16xf32>
      %swap3A = arith.index_cast %mul3A_12 : i32 to index
      %swap3A_21 = tpu.vector_load %arg11[%swap3A] {strides = array<i32>} : memref<10496xf32, #tpu.memory_space<vmem>>, vector<16xf32>,
      tpu.vector_store %arg11[%swap3A], %mul3A_20 {strides = array<i32>} : memref<10496xf32, #tpu.memory_space<vmem>>, vector<16xf32>,
      %scan3A_22 = arith.constant 0 : i32
      scf.yield %scan3A_22 : i32
    }
    %scan3A_8 = arith.constant 656 : i32
    "tpu.region"() ({
      %run_scoped3A = tpu.sem_alloc : memref<!tpu.dma_semaphore, #tpu.memory_space<semaphore_mem>>
      %dma_start3A = tpu.memref_slice %arg6[%mul3A_2] : memref<335872xf32, #tpu.memory_space<hbm>> -> memref<10496xf32, #tpu.memory_space<hbm>>
      %dma_start3A_9 = tpu.memref_slice %arg6[%mul3A_2] : memref<335872xf32, #tpu.memory_space<hbm>> -> memref<10496xf32, #tpu.memory_space<hbm>>
      tpu.enqueue_dma source(%arg11 : memref<10496xf32, #tpu.memory_space<vmem>>) target(%dma_start3A_9 : memref<10496xf32, #tpu.memory_space<hbm>>) target_semaphore(%run_scoped3A : memref<!tpu.dma_semaphore, #tpu.memory_space<semaphore_mem>>)
      %dma_wait3A = tpu.memref_slice %arg6[%mul3A_2] : memref<335872xf32, #tpu.memory_space<hbm>> -> memref<10496xf32, #tpu.memory_space<hbm>>
      %dma_wait3A_10 = tpu.memref_slice %arg6[%mul3A_2] : memref<335872xf32, #tpu.memory_space<hbm>> -> memref<10496xf32, #tpu.memory_space<hbm>>
      tpu.wait_dma2 semaphore(%run_scoped3A : memref<!tpu.dma_semaphore, #tpu.memory_space<semaphore_mem>>) src(%arg11 : memref<10496xf32, #tpu.memory_space<vmem>>) dst(%dma_wait3A_10 : memref<10496xf32, #tpu.memory_space<hbm>>)
      tpu.yield
    }) : () -> ()
    return
  }
}

</mosaic_0001>

<sc_bundles>
// kernel: _sc_norm.3.cloned.1.call-start
scs
__scs_entry_jumppad:
0x0: {  	(pc) =	sbr.rel $0x88, $3  }
0x1: {  	(tag) =	ssettag $0x0;
	lr =	simm.s32 $0x1  }
0x2: {  	[smem:$0x3F9D] =	sst lr;
	_ =	strace $0xD0000000  }
0x3: {  	_ = 	snop  }
0x4: {  	_ = 	snop  }
0x5: {  	_ = 	snop  }
0x6: {  	_ = 	snop  }
0x7: {  	_ = 	snop  }
__scs_overlays_trampoline_lowered:
0x8: {  	[smem:$0x3FAC] =	sst s0  }
0x9: {  	[smem:$0x3FAD] =	sst s1  }
0xa: {  	[smem:$0x3FAE] =	sst s2  }
0xb: {  	[smem:$0x3FAF] =	sst s3  }
0xc: {  	[smem:$0x3FB0] =	sst s4  }
0xd: {  	[smem:$0x3FB1] =	sst s5  }
0xe: {  	[smem:$0x3FB2] =	sst s6  }
0xf: {  	[smem:$0x3FB3] =	sst s7  }
0x10: {  	[smem:$0x3FB4] =	sst s8  }
0x11: {  	[smem:$0x3FB5] =	sst s9;
	s0 =	simm.s32 @!p0 $0x0  }
0x12: {  	s1 =	sld [smem:$0x3F9B];
	s0 =	simm.s32 @p0 $0x1  }
0x13: {  	[smem:$0x3FB6] =	sst s0;
	s0 =	simm.s32 @!p1 $0x0  }
0x14: {  	s2 =	sld [smem:$0x3F9A];
	s0 =	simm.s32 @p1 $0x1  }
0x15: {  	[smem:$0x3FB7] =	sst s0;
	s0 =	simm.s32 @!p2 $0x0  }
0x16: {  	s3 =	sld [smem:$0x3FDB];
	s0 =	simm.s32 @p2 $0x1  }
0x17: {  	s4 =	simm.s32 $0x1BF5;
	[smem:$0x3FB9] =	sst s0  }
0x18: {  	s0 =	sld [smem:$0x3F9C];
	_ =	swait.ge [sflag:s4], $0x0  }
0x19: {  	s7 =	sld [smem:$0x3F9D]  }
0x1a: {  	s8 =	sadd.s32 $0xFFFFE003, lr  }
0x1b: {  	s9 =	sadd.s32 $0xFFFFFEF7, lr;
	s5 =	simm.s32 $0xFFFFFFFF;
	p2 =	slt.u32 s8, $0xFFFFF086  }
0x1c: {  	p1 =	slt.u32 s9, $0xF7A;
	s5 =	simm.s32 @!p2 $0x0  }
0x1d: {  	s5 =	simm.s32 @p1 $0x1;
	p0 =	seq.s32 s7, s2  }
0x1e: {  	s7 =	smul.u32 @!p0 $0xF7A, s2;
	p2 =	seq.s32 @!p0 s5, $0x0  }
0x1f: {  	s9 =	smul.u32 $0xF7A, s1;
	s8 =	simm.s32 @!p0 $0x1BF5;
	p2 =	por !p2, p0  }
0x20: {  	[sflag:s8] =	ssyncset.s32 @!p0 $0xFFFFF086;
	s6 =	sadd.s32 @!p0 s3, s7;
	s7 =	simm.s32 @!p0 $0x108  }
0x21: {  	s3 =	sadd.s32 s3, s9;
	s6 =	sadd.s32 @!p0 $0x88, s6;
	s7 =	simm.s32 @p2 $0x1082  }
0x22: {  	[simem:s7], [sflag:s8] =	dma.local @!p0 [hbm:s6], $0xF7A  }
0x23: {  	s9 =	sor.u32 $0xD0000000, s2;
	s6 =	simm.s32 $0x108;
	_ =	swait.ge @!p0 [sflag:s8], $0x0  }
0x24: {  	s3 =	sadd.s32 $0x88, s3;
	s6 =	simm.s32 @!p1 $0x1082;
	[sflag:s4] =	ssyncset.s32 $0xFFFFF086  }
0x25: {  	[simem:s6], [sflag:s4] =	dma.local [hbm:s3], $0xF7A  }
0x26: {  	[smem:$0x3F9D] =	sst s1;
	(tag) =	ssettag s2;
	_ =	strace s9  }
0x27: {  	s1 =	sld [smem:$0x3FAD]  }
0x28: {  	s2 =	sld [smem:$0x3FAE]  }
0x29: {  	s4 =	sld [smem:$0x3FB0]  }
0x2a: {  	p0 =	seq.s32 s5, $0x0;
	s5 =	sld [smem:$0x3FB1]  }
0x2b: {  	s6 =	sld [smem:$0x3FB2]  }
0x2c: {  	s7 =	sld [smem:$0x3FB3]  }
0x2d: {  	s3 =	simm.s32 $0x108;
	s8 =	sld [smem:$0x3FB4]  }
0x2e: {  	s3 =	simm.s32 @!p0 $0x1082;
	s9 =	sld [smem:$0x3FB5]  }
0x2f: {  	lr =	sadd.s32 s0, s3;
	s0 =	sld [smem:$0x3FAC]  }
0x30: {  	s3 =	sld [smem:$0x3FAF]  }
0x31: {  	[smem:$0x3FB8] =	sst s10  }
0x32: {  	s10 =	sld [smem:$0x3FB6];
	_ =	sdelay $0x3  }
0x33: {  	p0 =	seq.s32 s10, $0x1;
	s10 =	sld [smem:$0x3FB8];
	_ =	sdelay $0x3  }
0x34: {  	[smem:$0x3FB8] =	sst s10  }
0x35: {  	s10 =	sld [smem:$0x3FB7];
	_ =	sdelay $0x3  }
0x36: {  	p1 =	seq.s32 s10, $0x1;
	s10 =	sld [smem:$0x3FB8];
	_ =	sdelay $0x3  }
0x37: {  	[smem:$0x3FB8] =	sst s10  }
0x38: {  	s10 =	sld [smem:$0x3FB9]  }
0x39: {  	_ = 	snop;
	(pc) =	sbr.ind lr, $3  }
0x3a: {  	_ = 	snop  }
0x3b: {  	_ = 	snop  }
0x3c: {  	p2 =	seq.s32 s10, $0x1;
	s10 =	sld [smem:$0x3FB8]  }
0x3d: {  	_ =	shalt  }
0x3e: {  	_ =	shalt  }
0x3f: {  	_ =	shalt  }
0x40: {  	_ =	shalt  }
0x41: {  	_ =	shalt  }
0x42: {  	_ =	shalt  }
0x43: {  	_ =	shalt  }
0x44: {  	_ =	shalt  }
0x45: {  	_ =	shalt  }
0x46: {  	_ =	shalt  }
0x47: {  	_ =	shalt  }
0x48: {  	_ =	shalt  }
0x49: {  	_ =	shalt  }
0x4a: {  	_ =	shalt  }
0x4b: {  	_ =	shalt  }
0x4c: {  	_ =	shalt  }
0x4d: {  	_ =	shalt  }
0x4e: {  	_ =	shalt  }
0x4f: {  	_ =	shalt  }
0x50: {  	_ =	shalt  }
0x51: {  	_ =	shalt  }
0x52: {  	_ =	shalt  }
0x53: {  	_ =	shalt  }
0x54: {  	_ =	shalt  }
0x55: {  	_ =	shalt  }
0x56: {  	_ =	shalt  }
0x57: {  	_ =	shalt  }
0x58: {  	_ =	shalt  }
0x59: {  	_ =	shalt  }
0x5a: {  	_ =	shalt  }
0x5b: {  	_ =	shalt  }
0x5c: {  	_ =	shalt  }
0x5d: {  	_ =	shalt  }
0x5e: {  	_ =	shalt  }
0x5f: {  	_ =	shalt  }
0x60: {  	_ =	shalt  }
0x61: {  	_ =	shalt  }
0x62: {  	_ =	shalt  }
0x63: {  	_ =	shalt  }
0x64: {  	_ =	shalt  }
0x65: {  	_ =	shalt  }
0x66: {  	_ =	shalt  }
0x67: {  	_ =	shalt  }
0x68: {  	_ =	shalt  }
0x69: {  	_ =	shalt  }
0x6a: {  	_ =	shalt  }
0x6b: {  	_ =	shalt  }
0x6c: {  	_ =	shalt  }
0x6d: {  	_ =	shalt  }
0x6e: {  	_ =	shalt  }
0x6f: {  	_ =	shalt  }
0x70: {  	_ =	shalt  }
0x71: {  	_ =	shalt  }
0x72: {  	_ =	shalt  }
0x73: {  	_ =	shalt  }
0x74: {  	_ =	shalt  }
0x75: {  	_ =	shalt  }
0x76: {  	_ =	shalt  }
0x77: {  	_ =	shalt  }
0x78: {  	_ =	shalt  }
0x79: {  	_ =	shalt  }
0x7a: {  	_ =	shalt  }
0x7b: {  	_ =	shalt  }
0x7c: {  	_ =	shalt  }
0x7d: {  	_ =	shalt  }
0x7e: {  	_ =	shalt  }
0x7f: {  	_ =	shalt  }
0x80: {  	_ =	shalt  }
0x81: {  	_ =	shalt  }
0x82: {  	_ =	shalt  }
0x83: {  	_ =	shalt  }
0x84: {  	_ =	shalt  }
0x85: {  	_ =	shalt  }
0x86: {  	_ =	shalt  }
0x87: {  	_ =	shalt  }
.Lfunc_end0:
.L_simem_size_0:
called_computation_lowered:
.L_overlay_start_0:
0x88: {  	s2 =	sld [smem:$0x3FD9]  }
0x89: {  	s3 =	sld [smem:$0x3FFE];
	_ =	sdelay $0x1  }
0x8a: {  	s1 =	srdreg.scid  }
0x8b: {  	s0 =	sand.u32 $0x1, s1  }
0x8c: {  	s18 =	sshll.u32 s0, $0xA;
	s2 =	sadd.s32 s3, s2  }
0x8d: {  	s2 =	sadd.s32 s2, s18  }
0x8e: {  	[smem:$0x3FC4] =	sst s2  }
0x8f: {  	_ = 	snop  }
0x90: {  	s2 =	sld [smem:$0x3FC9]  }
0x91: {  	s19 =	sld [smem:$0x3FC8]  }
0x92: {  	s4 =	sld [smem:$0x3FC7]  }
0x93: {  	s5 =	sld [smem:$0x3FC6]  }
0x94: {  	s6 =	sld [smem:$0x3FD0];
	(tm) =	ssettm $0x1  }
0x95: {  	s7 =	sld [smem:$0x3FFB];
	_ =	sdelay $0x3  }
0x96: {  	_ =	strace s7  }
0x97: {  	s7 =	sld [smem:$0x3FFC];
	_ =	sdelay $0x3  }
0x98: {  	_ =	strace s7  }
0x99: {  	s7 =	sld [smem:$0x3FFD];
	_ =	sdelay $0x3  }
0x9a: {  	_ =	strace s7  }
0x9b: {  	_ =	strace $0x8FFFFFFF  }
0x9c: {  	s20 =	sld [smem:$0x3FDB];
	_ =	sdelay $0x1  }
0x9d: {  	s8 =	simm.s32 $_scs_section_size  }
0x9e: {  	s9 =	simm.s32 $_size__tile_overlayer_lowered;
	s10 =	simm.s32 $_tile_overlayer_lowered  }
0x9f: {  	s23 =	simm.s32 $0x1BFF;
	s22 =	sshll.u32 s10, $0x1;
	s7 =	sadd.s32 s8, s20  }
0xa0: {  	s11 =	simm.s32 $0x0;
	s21 =	sshll.u32 s9, $0x1;
	s9 =	sadd.s32 s22, s7  }
0xa1: {  	[timem:s11], [sflag:s23] =	dma.local [hbm:s9], s21  }
0xa2: {  	_ =	swait.ge [sflag:s23], s21  }
0xa3: {  	s8 =	ssub.s32 $0x0, s21;
	[sflag:s23] =	ssyncset.done $0x0  }
0xa4: {  	[sflag:s23] =	ssyncadd.s32 s8;
	_ =	sdelay $0x1  }
0xa5: {  	s24 =	simm.s32 $0x1B8B  }
0xa6: {  	_ =	swait.ge [sflag:s24], $0x1  }
0xa7: {  	[sflag:s24] =	ssyncset.done $0x0  }
0xa8: {  	s25 =	simm.s32 $0x1B8E;
	[sflag:s24] =	ssyncadd.s32 $0xFFFFFFFF  }
0xa9: {  	s26 =	simm.s32 $execute0_lowered;
	[smem:$0x3FD2] =	sst s25  }
0xaa: {  	s8 =	sshll.u32 s26, $0x1;
	_ =	strace $0x80000046;
	[dreg:$0x1] =	wrdreg $0xFFFFFFFF  }
0xab: {  	s28 =	simm.s32 $_size_execute0_lowered;
	s7 =	sadd.s32 s7, s8;
	[dreg:$0x0] =	wrdreg $0x0  }
0xac: {  	s8 =	sshll.u32 s28, $0x1;
	[dreg:$0x2] =	wrdreg s7  }
0xad: {  	[dreg:$0x3] =	wrdreg s8  }
0xae: {  	[dreg:$0x4] =	wrdreg $0xC0  }
0xaf: {  	_ =	task [dreg:s11], $0x5FFFF  }
0xb0: {  	[dreg:$0x1] =	wrdreg $0xFFFFFFFF  }
0xb1: {  	[dreg:$0x0] =	wrdreg $0x60  }
0xb2: {  	[dreg:$0x2] =	wrdreg s2  }
0xb3: {  	[dreg:$0x3] =	wrdreg s19  }
0xb4: {  	[dreg:$0x4] =	wrdreg s4  }
0xb5: {  	[dreg:$0x5] =	wrdreg s5  }
0xb6: {  	[dreg:$0x6] =	wrdreg s6  }
0xb7: {  	[dreg:$0x7] =	wrdreg $0x9  }
0xb8: {  	_ =	task.clear_ibuf [dreg:s11], $0x8FFFF;
	_ =	strace $0x90000046  }
0xb9: {  	s29 =	simm.s32 $0x9;
	_ =	strace $0x80000048  }
0xba: {  	_ =	swait.ge [sflag:s29], $0x1  }
0xbb: {  	[sflag:s29] =	ssyncadd.s32 $0xFFFFFFFF  }
0xbc: {  	_ =	strace $0x90000048  }
0xbd: {  	_ =	sfence  }
0xbe: {  	s30 =	sld [smem:$0x0];
	_ =	sdelay $0x2  }
0xbf: {  	s31 =	sshll.u32 s1, $0xD;
	s1 =	sshrl.u32 s1, $0x2  }
0xc0: {  	s3 =	sand.u32 $0x4000, s31;
	s1 =	sadd.s32 s1, s30  }
0xc1: {  	s0 =	sor.u32 s3, s0;
	s1 =	sshll.u32 s1, $0x11  }
0xc2: {  	s0 =	sor.u32 s1, s0  }
0xc3: {  	s0 =	sadd.s32 $0x8F2B, s0  }
0xc4: {  	[sflag:s0] =	ssyncadd.remote.s32 $0x1  }
0xc5: {  	_ =	sfence.sel $0xFFFF  }
0xc6: {  	[dreg:$0x0] =	wrdreg $0xFFFFFFFF;
	(pc) =	sbr.abs _section_cstart, $3  }
0xc7: {  	[dreg:$0x1] =	wrdreg $0xFFFFFFFF  }
0xc8: {  	_ =	task.clear_ibuf [dreg:s11], $0x2FFFF;
	_ =	strace $0x9FFFFFFF  }
0xc9: {  	(tm) =	ssettm $0x7FFFFFFF  }
tec
execute0_lowered:
.L_overlay_start_1:
0x0: {  	(tag) =	ssettag $0x1  }
0x1: {  	s4 =	rddreg [dreg:$0x0]  }
0x2: {  	s5 =	rddreg [dreg:$0x1]  }
0x3: {  	s6 =	rddreg [dreg:$0x2]  }
0x4: {  	s2 =	rddreg [dreg:$0x3];
	s1 =	srdreg.scid  }
0x5: {  	s0 =	stileid.u32;
	s7 =	rddreg [dreg:$0x4];
	s3 =	simm.s32 $0x0  }
0x6: {  	s11 =	simm.s32 $0x5080;
	s12 =	simm.s32 $0x7980;
	s13 =	simm.s32 $0xA280  }
0x7: {  	s14 =	simm.s32 $0x0;
	s8 =	sand.u32 $0x1, s1;
	s9 =	sshll.u32 s0, $0x1  }
0x8: {  	s1 =	rddreg [dreg:$0x5];
	s9 =	sor.u32 s8, s9;
	s8 =	ssub.s32 $0x2, s8  }
0x9: {  	[smem:$0x7FF] =	sst s3;
	s9 =	smul.u32 $0x520, s9;
	s10 =	sshrl.u32 s8, $0x1  }
0xa: {  	_ =	strace $0x80000047;
	s8 =	ssub.s32 s8, s10;
	s10 =	simm.s32 $0x2780  }
0xb: {  	s4 =	sadd.s32 s4, s9;
	s5 =	sadd.s32 s5, s9;
	s6 =	sadd.s32 s6, s9  }
0xc: {  	s7 =	sadd.s32 s7, s9;
	s8 =	smax.u32 s8, $0x1;
	s9 =	simm.s32 $0x1  }
.LBB2_1:
0xd: {  	[tilespmem:s3], [sflag:$0x1] =	stream.linear.gather [hbm4b:s2+s3], $0x2780, $0x38;
	[tilespmem:$0xCB80] =	vst v63  }
0xe: {  	_ =	swait.ge [sflag:s9], $0x2780  }
0xf: {  	[sflag:s9] =	ssyncset.done $0x0  }
0x10: {  	[sflag:s9] =	ssyncadd.s32 $0xFFFFD880  }
0x11: {  	[tilespmem:s10], [sflag:$0x1] =	stream.linear.gather [hbm4b:s4+s3], $0x2900, $0x38;
	[tilespmem:$0xCB80] =	vst v63  }
0x12: {  	_ =	swait.ge [sflag:s9], $0x2900  }
0x13: {  	[sflag:s9] =	ssyncset.done $0x0  }
0x14: {  	[sflag:s9] =	ssyncadd.s32 $0xFFFFD700  }
0x15: {  	[tilespmem:s11], [sflag:$0x1] =	stream.linear.gather [hbm4b:s5+s3], $0x2900, $0x38;
	[tilespmem:$0xCB80] =	vst v63  }
0x16: {  	_ =	swait.ge [sflag:s9], $0x2900  }
0x17: {  	[sflag:s9] =	ssyncset.done $0x0  }
0x18: {  	[sflag:s9] =	ssyncadd.s32 $0xFFFFD700  }
0x19: {  	[tilespmem:s12], [sflag:$0x1] =	stream.linear.gather [hbm4b:s6+s3], $0x2900, $0x38;
	[tilespmem:$0xCB80] =	vst v63  }
0x1a: {  	_ =	swait.ge [sflag:s9], $0x2900  }
0x1b: {  	[sflag:s9] =	ssyncset.done $0x0  }
0x1c: {  	s15 =	simm.s32 $0x0;
	[sflag:s9] =	ssyncadd.s32 $0xFFFFD700  }
0x1d: {  	v0 =	vld [tilespmem:s15+$0x5080]  }
0x1e: {  	v1 =	vld [tilespmem:s15+$0x2780];
	_ =	sdelay $0x6  }
0x1f: {  	v0 =	vld.idx.msk [tilespmem:v0+s3+$0x0], $0xffff  }
0x20: {  	v2 =	vld.idx.msk [tilespmem:v1+s3+$0x0], $0xffff  }
0x21: {  	s16 =	simm.s32 $0x10;
	v3 =	vld [tilespmem:s15+$0x7980]  }
0x22: {  	s17 =	simm.s32 $0x80;
	v1 =	vld [tilespmem:s16+$0x5080]  }
.LBB2_2:
0x23: {  	p0 =	sne.s32 s17, $0xA3C0;
	v4 =	vld [tilespmem:s16+$0x2780];
	_ =	sdelay $0x1  }
0x24: {  	v0 =	vmul.f32 v0, v2;
	_ =	sdelay $0x1  }
0x25: {  	v0 =	vmul.f32 v3, v0;
	_ =	sdelay $0x1  }
0x26: {  	[tilespmem:s15+$0xA280] =	vst v0;
	s15 =	smov.u32 s16  }
.Ltmp0:
0x27: {  	v0 =	vld.idx.msk [tilespmem:v1+s3+$0x0], $0xffff;
	(pc) =	sbr.rel @p0 .LBB2_2-.Ltmp0, $3  }
0x28: {  	v2 =	vld.idx.msk [tilespmem:v4+s3+$0x0], $0xffff;
	_ =	sdelay $0x1  }
0x29: {  	s16 =	sshra.s32 s17, $0x2;
	v3 =	vld [tilespmem:s15+$0x7980]  }
0x2a: {  	s17 =	sadd.s32 $0x40, s17;
	v1 =	vld [tilespmem:s16+$0x5080]  }
0x2b: {  	_ = 	snop  }
0x2c: {  	v4 =	vld [tilespmem:s16+$0x2780];
	_ =	sdelay $0x1  }
0x2d: {  	v0 =	vmul.f32 v0, v2;
	_ =	sdelay $0x1  }
0x2e: {  	v0 =	vmul.f32 v3, v0;
	_ =	sdelay $0x1  }
0x2f: {  	[tilespmem:s15+$0xA280] =	vst v0  }
0x30: {  	v0 =	vld.idx.msk [tilespmem:v1+s3+$0x0], $0xffff  }
0x31: {  	v62 =	vld.idx.msk [tilespmem:v4+s3+$0x0], $0xffff;
	_ =	sdelay $0x1  }
0x32: {  	v63 =	vld [tilespmem:s16+$0x7980];
	_ =	sdelay $0x2  }
0x33: {  	v0 =	vmul.f32 v0, v62;
	_ =	sdelay $0x1  }
0x34: {  	s14 =	sadd.s32 $0x1, s14;
	v0 =	vmul.f32 v63, v0  }
0x35: {  	p0 =	sne.s32 s14, s8  }
.Ltmp1:
0x36: {  	[tilespmem:s16+$0xA280] =	vst v0;
	(pc) =	sbr.rel @p0 .LBB2_1-.Ltmp1, $4  }
0x37: {  	[hbm4b:s7+s3] =	stream.linear.scatter [tilespmem:s13], [sflag:$0x1], $0x2900, $0x38;
	[tilespmem:$0xCB80] =	vst v63  }
0x38: {  	_ =	swait.ge [sflag:s9], $0x2900  }
0x39: {  	[sflag:s9] =	ssyncset.done $0x0  }
0x3a: {  	[sflag:s9] =	ssyncadd.s32 $0xFFFFD700  }
0x3b: {  	_ =	sfence.sel $0x180000  }
0x3c: {  	[bflag:$0x0] =	sbarrier.arrive $0xFFFF  }
0x3d: {  	p0 =	sne.s32 s0, $0x0;
	_ =	strace $0x90000047  }
0x3e: {  	s0 =	sadd.s32 @!p0 $0x100000, s1;
	[bflag:$0x2] =	sbarrier.arrive $0xFFFF  }
0x3f: {  	[sflag:s0] =	ssyncadd.tile.s32 @!p0 $0x1;
	_ =	shalt  }
.Lfunc_end2:
_tile_overlayer_lowered:
.L_overlay_start_2:
0x40: {  	(tag) =	ssettag $0x2  }
0x41: {  	s0 =	rddreg [dreg:$0x0];
	s2 =	stileid.u32  }
0x42: {  	s1 =	rddreg [dreg:$0x1];
	p0 =	sne.s32 s2, $0x0  }
0x43: {  	s3 =	rddreg [dreg:$0x2];
	[bflag:$0x3] =	sbarrier.arrive $0xFFFF;
	s2 =	simm.s32 @!p0 $0x1C01  }
0x44: {  	[timem:s3], [sflag:s2] =	dma.local @!p0 [hbm:s0], s1  }
0x45: {  	s0 =	simm.s32 @!p0 $0x1  }
0x46: {  	_ =	swait.ge @!p0 [sflag:s0], s1  }
0x47: {  	s1 =	ssub.s32 @!p0 $0x0, s1;
	[sflag:s0] =	ssyncset.done @!p0 $0x0  }
0x48: {  	[sflag:s0] =	ssyncadd.s32 @!p0 s1  }
0x49: {  	[bflag:$0x3] =	sbarrier.arrive $0xFFFF  }
0x4a: {  	_ =	shalt  }

</sc_bundles>
